<compile_context>
chip_gen: v7x
topology: tpu7x:2x2x1
jax: 0.10.2.dev20260603
libtpu: 0.0.44.dev20260713+nightly
codegen_flags: <defaults>
</compile_context>

<pallas_src>
import functools

import jax
import jax.numpy as jnp
from jax import lax
from jax.experimental import pallas as pl
from jax.experimental.pallas import tpu as pltpu
from jax.experimental.pallas import tpu_sc as plsc

B, S, H = 4, 8192, 1024
M = 1024
NC, NS = 2, 16
NW = NC * NS
RPW = (B * M) // NW
CA, CB, CT = 64, 56, 8


def _make_kernel():
  mesh = plsc.VectorSubcoreMesh(core_axis_name="c", subcore_axis_name="s")

  @functools.partial(
      pl.kernel,
      mesh=mesh,
      out_type=jax.ShapeDtypeStruct((B * M, H), jnp.float32),
      scratch_types=[
          pltpu.VMEM((RPW,), jnp.int32),
          pltpu.VMEM((CA, H), jnp.float32),
          pltpu.VMEM((CB, H), jnp.float32),
          pltpu.SemaphoreType.DMA,
          pltpu.SemaphoreType.DMA,
          pltpu.SemaphoreType.DMA,
          pltpu.SemaphoreType.DMA,
      ],
  )
  def gather_kernel(mp_hbm, x_hbm, out_hbm, idx_v, buf_a, buf_b,
                    gsem_a, gsem_b, osem_a, osem_b):
    wid = lax.axis_index("s") * NC + lax.axis_index("c")
    base = wid * RPW
    b = base // M
    col = base % M
    pltpu.sync_copy(mp_hbm.at[b, pl.ds(col, RPW)], idx_v)
    boff = b * S
    for i in range(RPW // 16):
      idx_v[pl.ds(i * 16, 16)] = idx_v[pl.ds(i * 16, 16)] + boff

    g_a = pltpu.async_copy(x_hbm.at[idx_v.at[pl.ds(0, CA)]], buf_a, gsem_a)
    g_a.wait()
    s_a = pltpu.async_copy(buf_a, out_hbm.at[pl.ds(base, CA)], osem_a)
    g_b = pltpu.async_copy(x_hbm.at[idx_v.at[pl.ds(CA, CB)]], buf_b, gsem_b)
    s_a.wait()
    g_t = pltpu.async_copy(x_hbm.at[idx_v.at[pl.ds(CA + CB, CT)]],
                           buf_a.at[pl.ds(0, CT)], gsem_a)
    g_b.wait()
    s_b = pltpu.async_copy(buf_b, out_hbm.at[pl.ds(base + CA, CB)], osem_b)
    g_t.wait()
    pltpu.sync_copy(buf_a.at[pl.ds(0, CT)],
                    out_hbm.at[pl.ds(base + CA + CB, CT)])
    s_b.wait()

  return gather_kernel


_gather = _make_kernel()


@jax.jit
def kernel(x, masked_position):
  out = _gather(masked_position, x.reshape(B * S, H))
  return out.reshape(B, M, H)

# --- scband reference (transcript-rebuilt; emitter-appended) ---
"""Pipeline reference for scband-ark-bert-pretrain-36790689858151 (READ-ONLY COPY).

The authoritative reference and input builder live on the scoring server;
editing this copy changes nothing except your own understanding.
"""

import jax, jax.numpy as jnp
import numpy as np


def setup_inputs(seed: int = 0) -> dict:
    key = jax.random.key(seed)
    k1, k2 = jax.random.split(key)
    x = jax.random.normal(k1, (4, 8192, 1024), dtype=jnp.float32)
    masked_position = jax.random.randint(k2, (4, 1024), 0, 8192, dtype=jnp.int64 if jax.config.jax_enable_x64 else jnp.int32)
    return {"x": x, "masked_position": masked_position}


def reference(x, masked_position):
    # index = masked_position.unsqueeze(-1).expand(-1, -1, H); torch.gather(x, dim=1, index)
    B, M = masked_position.shape
    H = x.shape[-1]
    index = jnp.broadcast_to(masked_position[:, :, None], (B, M, H))
    return jnp.take_along_axis(x, index, axis=1)

if __name__ == "__main__":
    import jax
    _d = setup_inputs()
    print(jax.jit(kernel)(*tuple(_d.values())))

</pallas_src>

<mosaic_0001>
#map = affine_map<(d0, d1) -> (0, 0)>
module attributes {stable_mosaic.version = 14 : i64} {
  func.func @gather_kernel(%arg0: i32, %arg1: i32, %arg2: memref<4x1024xi32, #tpu.memory_space<hbm>>, %arg3: memref<32768x1024xf32, #tpu.memory_space<hbm>>, %arg4: memref<4096x1024xf32, #tpu.memory_space<hbm>>, %arg5: memref<128xi32, #tpu.memory_space<vmem>>, %arg6: memref<64x1024xf32, #tpu.memory_space<vmem>>, %arg7: memref<56x1024xf32, #tpu.memory_space<vmem>>, %arg8: memref<!tpu.dma_semaphore, #tpu.memory_space<semaphore_mem>>, %arg9: memref<!tpu.dma_semaphore, #tpu.memory_space<semaphore_mem>>, %arg10: memref<!tpu.dma_semaphore, #tpu.memory_space<semaphore_mem>>, %arg11: memref<!tpu.dma_semaphore, #tpu.memory_space<semaphore_mem>>) attributes {dimension_semantics = [#tpu.dimension_semantics<core_parallel>, #tpu.dimension_semantics<subcore_parallel>], iteration_bounds = array<i64: 2, 16>, scalar_prefetch = 0 : i64, scratch_operands = 7 : i64, tpu.core_type = #tpu.core_type<sc_vector_subcore>, window_params = [{transform_indices = #map}, {transform_indices = #map}, {transform_indices = #map}]} {
    %mul3A = arith.constant 2 : i32
    %mul3A_0 = arith.muli %arg1, %mul3A : i32
    %add3A = arith.addi %mul3A_0, %arg0 : i32
    %mul3A_1 = arith.constant 128 : i32
    %mul3A_2 = arith.muli %add3A, %mul3A_1 : i32
    %jit3A = arith.constant 1024 : i32
    %div3A = arith.divsi %mul3A_2, %jit3A : i32
    %sign3A = arith.constant 0 : i32
    %sign3A_3 = arith.cmpi sgt, %mul3A_2, %sign3A : i32
    %sign3A_4 = arith.extui %sign3A_3 : i1 to i32
    %sign3A_5 = arith.constant 0 : i32
    %sign3A_6 = arith.cmpi slt, %mul3A_2, %sign3A_5 : i32
    %sign3A_7 = arith.extui %sign3A_6 : i1 to i32
    %sign3A_8 = arith.subi %sign3A_4, %sign3A_7 : i32
    %sign3A_9 = arith.constant 0 : i32
    %sign3A_10 = arith.cmpi sgt, %jit3A, %sign3A_9 : i32
    %sign3A_11 = arith.extui %sign3A_10 : i1 to i32
    %sign3A_12 = arith.constant 0 : i32
    %sign3A_13 = arith.cmpi slt, %jit3A, %sign3A_12 : i32
    %sign3A_14 = arith.extui %sign3A_13 : i1 to i32
    %sign3A_15 = arith.subi %sign3A_11, %sign3A_14 : i32
    %ne3A = arith.cmpi ne, %sign3A_8, %sign3A_15 : i32
    %rem3A = arith.remsi %mul3A_2, %jit3A : i32
    %ne3A_16 = arith.constant 0 : i32
    %ne3A_17 = arith.cmpi ne, %rem3A, %ne3A_16 : i32
    %and3A = arith.andi %ne3A, %ne3A_17 : i1
    %sub3A = arith.constant 1 : i32
    %sub3A_18 = arith.subi %div3A, %sub3A : i32
    %select_n3A = arith.select %and3A, %sub3A_18, %div3A : i32
    %jit3A_19 = arith.constant 1024 : i32
    %eq3A = arith.constant 0 : i32
    %eq3A_20 = arith.cmpi eq, %jit3A_19, %eq3A : i32
    %jit3A_21 = arith.constant 1 : i32
    %select_n3A_22 = arith.select %eq3A_20, %jit3A_21, %jit3A_19 : i32
    %rem3A_23 = arith.remsi %mul3A_2, %select_n3A_22 : i32
    %ne3A_24 = arith.constant 0 : i32
    %ne3A_25 = arith.cmpi ne, %rem3A_23, %ne3A_24 : i32
    %lt3A = arith.constant 0 : i32
    %lt3A_26 = arith.cmpi slt, %rem3A_23, %lt3A : i32
    %lt3A_27 = arith.constant 0 : i32
    %lt3A_28 = arith.cmpi slt, %select_n3A_22, %lt3A_27 : i32
    %ne3A_29 = arith.xori %lt3A_26, %lt3A_28 : i1
    %and3A_30 = arith.andi %ne3A_29, %ne3A_25 : i1
    %add3A_31 = arith.addi %rem3A_23, %select_n3A_22 : i32
    %select_n3A_32 = arith.select %and3A_30, %add3A_31, %rem3A_23 : i32
    "tpu.region"() ({
      %run_scoped3A = tpu.sem_alloc : memref<!tpu.dma_semaphore, #tpu.memory_space<semaphore_mem>>
      %dma_start3A_161 = tpu.memref_slice %arg2[%select_n3A, %select_n3A_32] : memref<4x1024xi32, #tpu.memory_space<hbm>> -> memref<1x128xi32, #tpu.memory_space<hbm>>
      %dma_start3A_162 = tpu.memref_squeeze %dma_start3A_161 : memref<1x128xi32, #tpu.memory_space<hbm>> -> memref<128xi32, #tpu.memory_space<hbm>>
      %dma_start3A_163 = tpu.memref_slice %arg2[%select_n3A, %select_n3A_32] : memref<4x1024xi32, #tpu.memory_space<hbm>> -> memref<1x128xi32, #tpu.memory_space<hbm>>
      %dma_start3A_164 = tpu.memref_squeeze %dma_start3A_163 : memref<1x128xi32, #tpu.memory_space<hbm>> -> memref<128xi32, #tpu.memory_space<hbm>>
      tpu.enqueue_dma source(%dma_start3A_164 : memref<128xi32, #tpu.memory_space<hbm>>) target(%arg5 : memref<128xi32, #tpu.memory_space<vmem>>) target_semaphore(%run_scoped3A : memref<!tpu.dma_semaphore, #tpu.memory_space<semaphore_mem>>)
      %dma_wait3A_165 = tpu.memref_slice %arg2[%select_n3A, %select_n3A_32] : memref<4x1024xi32, #tpu.memory_space<hbm>> -> memref<1x128xi32, #tpu.memory_space<hbm>>
      %dma_wait3A_166 = tpu.memref_squeeze %dma_wait3A_165 : memref<1x128xi32, #tpu.memory_space<hbm>> -> memref<128xi32, #tpu.memory_space<hbm>>
      %dma_wait3A_167 = tpu.memref_slice %arg2[%select_n3A, %select_n3A_32] : memref<4x1024xi32, #tpu.memory_space<hbm>> -> memref<1x128xi32, #tpu.memory_space<hbm>>
      %dma_wait3A_168 = tpu.memref_squeeze %dma_wait3A_167 : memref<1x128xi32, #tpu.memory_space<hbm>> -> memref<128xi32, #tpu.memory_space<hbm>>
      tpu.wait_dma2 semaphore(%run_scoped3A : memref<!tpu.dma_semaphore, #tpu.memory_space<semaphore_mem>>) src(%dma_wait3A_168 : memref<128xi32, #tpu.memory_space<hbm>>) dst(%arg5 : memref<128xi32, #tpu.memory_space<vmem>>)
      tpu.yield
    }) : () -> ()
    %mul3A_33 = arith.constant 8192 : i32
    %mul3A_34 = arith.muli %select_n3A, %mul3A_33 : i32
    %get3A = arith.constant 0 : index
    %get3A_35 = tpu.vector_load %arg5[%get3A] {strides = array<i32>} : memref<128xi32, #tpu.memory_space<vmem>>, vector<16xi32>,
    %get3A_36 = vector.shape_cast %get3A_35 : vector<16xi32> to vector<16xi32>
    %add3A_37 = vector.broadcast %mul3A_34 : i32 to vector<16xi32>
    %add3A_38 = arith.addi %get3A_36, %add3A_37 : vector<16xi32>
    %swap3A = arith.constant 0 : index
    %swap3A_39 = tpu.vector_load %arg5[%swap3A] {strides = array<i32>} : memref<128xi32, #tpu.memory_space<vmem>>, vector<16xi32>,
    %swap3A_40 = vector.shape_cast %swap3A_39 : vector<16xi32> to vector<16xi32>
    %swap3A_41 = vector.shape_cast %add3A_38 : vector<16xi32> to vector<16xi32>
    tpu.vector_store %arg5[%swap3A], %swap3A_41 {strides = array<i32>} : memref<128xi32, #tpu.memory_space<vmem>>, vector<16xi32>,
    %get3A_42 = arith.constant 16 : index
    %get3A_43 = tpu.vector_load %arg5[%get3A_42] {strides = array<i32>} : memref<128xi32, #tpu.memory_space<vmem>>, vector<16xi32>,
    %get3A_44 = vector.shape_cast %get3A_43 : vector<16xi32> to vector<16xi32>
    %add3A_45 = vector.broadcast %mul3A_34 : i32 to vector<16xi32>
    %add3A_46 = arith.addi %get3A_44, %add3A_45 : vector<16xi32>
    %swap3A_47 = arith.constant 16 : index
    %swap3A_48 = tpu.vector_load %arg5[%swap3A_47] {strides = array<i32>} : memref<128xi32, #tpu.memory_space<vmem>>, vector<16xi32>,
    %swap3A_49 = vector.shape_cast %swap3A_48 : vector<16xi32> to vector<16xi32>
    %swap3A_50 = vector.shape_cast %add3A_46 : vector<16xi32> to vector<16xi32>
    tpu.vector_store %arg5[%swap3A_47], %swap3A_50 {strides = array<i32>} : memref<128xi32, #tpu.memory_space<vmem>>, vector<16xi32>,
    %get3A_51 = arith.constant 32 : index
    %get3A_52 = tpu.vector_load %arg5[%get3A_51] {strides = array<i32>} : memref<128xi32, #tpu.memory_space<vmem>>, vector<16xi32>,
    %get3A_53 = vector.shape_cast %get3A_52 : vector<16xi32> to vector<16xi32>
    %add3A_54 = vector.broadcast %mul3A_34 : i32 to vector<16xi32>
    %add3A_55 = arith.addi %get3A_53, %add3A_54 : vector<16xi32>
    %swap3A_56 = arith.constant 32 : index
    %swap3A_57 = tpu.vector_load %arg5[%swap3A_56] {strides = array<i32>} : memref<128xi32, #tpu.memory_space<vmem>>, vector<16xi32>,
    %swap3A_58 = vector.shape_cast %swap3A_57 : vector<16xi32> to vector<16xi32>
    %swap3A_59 = vector.shape_cast %add3A_55 : vector<16xi32> to vector<16xi32>
    tpu.vector_store %arg5[%swap3A_56], %swap3A_59 {strides = array<i32>} : memref<128xi32, #tpu.memory_space<vmem>>, vector<16xi32>,
    %get3A_60 = arith.constant 48 : index
    %get3A_61 = tpu.vector_load %arg5[%get3A_60] {strides = array<i32>} : memref<128xi32, #tpu.memory_space<vmem>>, vector<16xi32>,
    %get3A_62 = vector.shape_cast %get3A_61 : vector<16xi32> to vector<16xi32>
    %add3A_63 = vector.broadcast %mul3A_34 : i32 to vector<16xi32>
    %add3A_64 = arith.addi %get3A_62, %add3A_63 : vector<16xi32>
    %swap3A_65 = arith.constant 48 : index
    %swap3A_66 = tpu.vector_load %arg5[%swap3A_65] {strides = array<i32>} : memref<128xi32, #tpu.memory_space<vmem>>, vector<16xi32>,
    %swap3A_67 = vector.shape_cast %swap3A_66 : vector<16xi32> to vector<16xi32>
    %swap3A_68 = vector.shape_cast %add3A_64 : vector<16xi32> to vector<16xi32>
    tpu.vector_store %arg5[%swap3A_65], %swap3A_68 {strides = array<i32>} : memref<128xi32, #tpu.memory_space<vmem>>, vector<16xi32>,
    %get3A_69 = arith.constant 64 : index
    %get3A_70 = tpu.vector_load %arg5[%get3A_69] {strides = array<i32>} : memref<128xi32, #tpu.memory_space<vmem>>, vector<16xi32>,
    %get3A_71 = vector.shape_cast %get3A_70 : vector<16xi32> to vector<16xi32>
    %add3A_72 = vector.broadcast %mul3A_34 : i32 to vector<16xi32>
    %add3A_73 = arith.addi %get3A_71, %add3A_72 : vector<16xi32>
    %swap3A_74 = arith.constant 64 : index
    %swap3A_75 = tpu.vector_load %arg5[%swap3A_74] {strides = array<i32>} : memref<128xi32, #tpu.memory_space<vmem>>, vector<16xi32>,
    %swap3A_76 = vector.shape_cast %swap3A_75 : vector<16xi32> to vector<16xi32>
    %swap3A_77 = vector.shape_cast %add3A_73 : vector<16xi32> to vector<16xi32>
    tpu.vector_store %arg5[%swap3A_74], %swap3A_77 {strides = array<i32>} : memref<128xi32, #tpu.memory_space<vmem>>, vector<16xi32>,
    %get3A_78 = arith.constant 80 : index
    %get3A_79 = tpu.vector_load %arg5[%get3A_78] {strides = array<i32>} : memref<128xi32, #tpu.memory_space<vmem>>, vector<16xi32>,
    %get3A_80 = vector.shape_cast %get3A_79 : vector<16xi32> to vector<16xi32>
    %add3A_81 = vector.broadcast %mul3A_34 : i32 to vector<16xi32>
    %add3A_82 = arith.addi %get3A_80, %add3A_81 : vector<16xi32>
    %swap3A_83 = arith.constant 80 : index
    %swap3A_84 = tpu.vector_load %arg5[%swap3A_83] {strides = array<i32>} : memref<128xi32, #tpu.memory_space<vmem>>, vector<16xi32>,
    %swap3A_85 = vector.shape_cast %swap3A_84 : vector<16xi32> to vector<16xi32>
    %swap3A_86 = vector.shape_cast %add3A_82 : vector<16xi32> to vector<16xi32>
    tpu.vector_store %arg5[%swap3A_83], %swap3A_86 {strides = array<i32>} : memref<128xi32, #tpu.memory_space<vmem>>, vector<16xi32>,
    %get3A_87 = arith.constant 96 : index
    %get3A_88 = tpu.vector_load %arg5[%get3A_87] {strides = array<i32>} : memref<128xi32, #tpu.memory_space<vmem>>, vector<16xi32>,
    %get3A_89 = vector.shape_cast %get3A_88 : vector<16xi32> to vector<16xi32>
    %add3A_90 = vector.broadcast %mul3A_34 : i32 to vector<16xi32>
    %add3A_91 = arith.addi %get3A_89, %add3A_90 : vector<16xi32>
    %swap3A_92 = arith.constant 96 : index
    %swap3A_93 = tpu.vector_load %arg5[%swap3A_92] {strides = array<i32>} : memref<128xi32, #tpu.memory_space<vmem>>, vector<16xi32>,
    %swap3A_94 = vector.shape_cast %swap3A_93 : vector<16xi32> to vector<16xi32>
    %swap3A_95 = vector.shape_cast %add3A_91 : vector<16xi32> to vector<16xi32>
    tpu.vector_store %arg5[%swap3A_92], %swap3A_95 {strides = array<i32>} : memref<128xi32, #tpu.memory_space<vmem>>, vector<16xi32>,
    %get3A_96 = arith.constant 112 : index
    %get3A_97 = tpu.vector_load %arg5[%get3A_96] {strides = array<i32>} : memref<128xi32, #tpu.memory_space<vmem>>, vector<16xi32>,
    %get3A_98 = vector.shape_cast %get3A_97 : vector<16xi32> to vector<16xi32>
    %add3A_99 = vector.broadcast %mul3A_34 : i32 to vector<16xi32>
    %add3A_100 = arith.addi %get3A_98, %add3A_99 : vector<16xi32>
    %swap3A_101 = arith.constant 112 : index
    %swap3A_102 = tpu.vector_load %arg5[%swap3A_101] {strides = array<i32>} : memref<128xi32, #tpu.memory_space<vmem>>, vector<16xi32>,
    %swap3A_103 = vector.shape_cast %swap3A_102 : vector<16xi32> to vector<16xi32>
    %swap3A_104 = vector.shape_cast %add3A_100 : vector<16xi32> to vector<16xi32>
    tpu.vector_store %arg5[%swap3A_101], %swap3A_104 {strides = array<i32>} : memref<128xi32, #tpu.memory_space<vmem>>, vector<16xi32>,
    %dma_start3A = arith.constant 0 : i32
    %dma_start3A_105 = tpu.memref_slice %arg5[%dma_start3A] : memref<128xi32, #tpu.memory_space<vmem>> -> memref<64xi32, #tpu.memory_space<vmem>>
    %dma_start3A_106 = arith.constant 0 : i32
    %dma_start3A_107 = arith.constant 0 : i32
    %dma_start3A_108 = tpu.memref_slice %arg3[%dma_start3A_106, %dma_start3A_107] : memref<32768x1024xf32, #tpu.memory_space<hbm>> -> memref<32768x1024xf32, #tpu.memory_space<hbm>>
    tpu.enqueue_indirect_dma source(%dma_start3A_108 : memref<32768x1024xf32, #tpu.memory_space<hbm>>) target(%arg6 : memref<64x1024xf32, #tpu.memory_space<vmem>>) offsets(%dma_start3A_105 : memref<64xi32, #tpu.memory_space<vmem>>) semaphore(%arg8 : memref<!tpu.dma_semaphore, #tpu.memory_space<semaphore_mem>>)
    %dma_wait3A = arith.constant 0 : i32
    %dma_wait3A_109 = tpu.memref_slice %arg5[%dma_wait3A] : memref<128xi32, #tpu.memory_space<vmem>> -> memref<64xi32, #tpu.memory_space<vmem>>
    %dma_wait3A_110 = arith.constant 0 : i32
    %dma_wait3A_111 = arith.constant 0 : i32
    %dma_wait3A_112 = tpu.memref_slice %arg3[%dma_wait3A_110, %dma_wait3A_111] : memref<32768x1024xf32, #tpu.memory_space<hbm>> -> memref<32768x1024xf32, #tpu.memory_space<hbm>>
    tpu.wait_indirect_dma semaphore(%arg8 : memref<!tpu.dma_semaphore, #tpu.memory_space<semaphore_mem>>) src(%dma_wait3A_112 : memref<32768x1024xf32, #tpu.memory_space<hbm>>) dst(%arg6 : memref<64x1024xf32, #tpu.memory_space<vmem>>)
    %dma_start3A_113 = arith.constant 0 : i32
    %dma_start3A_114 = tpu.memref_slice %arg4[%mul3A_2, %dma_start3A_113] : memref<4096x1024xf32, #tpu.memory_space<hbm>> -> memref<64x1024xf32, #tpu.memory_space<hbm>>
    %dma_start3A_115 = arith.constant 0 : i32
    %dma_start3A_116 = tpu.memref_slice %arg4[%mul3A_2, %dma_start3A_115] : memref<4096x1024xf32, #tpu.memory_space<hbm>> -> memref<64x1024xf32, #tpu.memory_space<hbm>>
    tpu.enqueue_dma source(%arg6 : memref<64x1024xf32, #tpu.memory_space<vmem>>) target(%dma_start3A_116 : memref<64x1024xf32, #tpu.memory_space<hbm>>) target_semaphore(%arg10 : memref<!tpu.dma_semaphore, #tpu.memory_space<semaphore_mem>>)
    %dma_start3A_117 = arith.constant 64 : i32
    %dma_start3A_118 = tpu.memref_slice %arg5[%dma_start3A_117] : memref<128xi32, #tpu.memory_space<vmem>> -> memref<56xi32, #tpu.memory_space<vmem>>
    %dma_start3A_119 = arith.constant 0 : i32
    %dma_start3A_120 = arith.constant 0 : i32
    %dma_start3A_121 = tpu.memref_slice %arg3[%dma_start3A_119, %dma_start3A_120] : memref<32768x1024xf32, #tpu.memory_space<hbm>> -> memref<32768x1024xf32, #tpu.memory_space<hbm>>
    tpu.enqueue_indirect_dma source(%dma_start3A_121 : memref<32768x1024xf32, #tpu.memory_space<hbm>>) target(%arg7 : memref<56x1024xf32, #tpu.memory_space<vmem>>) offsets(%dma_start3A_118 : memref<56xi32, #tpu.memory_space<vmem>>) semaphore(%arg9 : memref<!tpu.dma_semaphore, #tpu.memory_space<semaphore_mem>>)
    %dma_wait3A_122 = arith.constant 0 : i32
    %dma_wait3A_123 = tpu.memref_slice %arg4[%mul3A_2, %dma_wait3A_122] : memref<4096x1024xf32, #tpu.memory_space<hbm>> -> memref<64x1024xf32, #tpu.memory_space<hbm>>
    %dma_wait3A_124 = arith.constant 0 : i32
    %dma_wait3A_125 = tpu.memref_slice %arg4[%mul3A_2, %dma_wait3A_124] : memref<4096x1024xf32, #tpu.memory_space<hbm>> -> memref<64x1024xf32, #tpu.memory_space<hbm>>
    tpu.wait_dma2 semaphore(%arg10 : memref<!tpu.dma_semaphore, #tpu.memory_space<semaphore_mem>>) src(%arg6 : memref<64x1024xf32, #tpu.memory_space<vmem>>) dst(%dma_wait3A_125 : memref<64x1024xf32, #tpu.memory_space<hbm>>)
    %dma_start3A_126 = arith.constant 0 : i32
    %dma_start3A_127 = arith.constant 0 : i32
    %dma_start3A_128 = tpu.memref_slice %arg6[%dma_start3A_126, %dma_start3A_127] : memref<64x1024xf32, #tpu.memory_space<vmem>> -> memref<8x1024xf32, #tpu.memory_space<vmem>>
    %dma_start3A_129 = arith.constant 120 : i32
    %dma_start3A_130 = tpu.memref_slice %arg5[%dma_start3A_129] : memref<128xi32, #tpu.memory_space<vmem>> -> memref<8xi32, #tpu.memory_space<vmem>>
    %dma_start3A_131 = arith.constant 0 : i32
    %dma_start3A_132 = arith.constant 0 : i32
    %dma_start3A_133 = tpu.memref_slice %arg3[%dma_start3A_131, %dma_start3A_132] : memref<32768x1024xf32, #tpu.memory_space<hbm>> -> memref<32768x1024xf32, #tpu.memory_space<hbm>>
    tpu.enqueue_indirect_dma source(%dma_start3A_133 : memref<32768x1024xf32, #tpu.memory_space<hbm>>) target(%dma_start3A_128 : memref<8x1024xf32, #tpu.memory_space<vmem>>) offsets(%dma_start3A_130 : memref<8xi32, #tpu.memory_space<vmem>>) semaphore(%arg8 : memref<!tpu.dma_semaphore, #tpu.memory_space<semaphore_mem>>)
    %dma_wait3A_134 = arith.constant 64 : i32
    %dma_wait3A_135 = tpu.memref_slice %arg5[%dma_wait3A_134] : memref<128xi32, #tpu.memory_space<vmem>> -> memref<56xi32, #tpu.memory_space<vmem>>
    %dma_wait3A_136 = arith.constant 0 : i32
    %dma_wait3A_137 = arith.constant 0 : i32
    %dma_wait3A_138 = tpu.memref_slice %arg3[%dma_wait3A_136, %dma_wait3A_137] : memref<32768x1024xf32, #tpu.memory_space<hbm>> -> memref<32768x1024xf32, #tpu.memory_space<hbm>>
    tpu.wait_indirect_dma semaphore(%arg9 : memref<!tpu.dma_semaphore, #tpu.memory_space<semaphore_mem>>) src(%dma_wait3A_138 : memref<32768x1024xf32, #tpu.memory_space<hbm>>) dst(%arg7 : memref<56x1024xf32, #tpu.memory_space<vmem>>)
    %add3A_139 = arith.constant 64 : i32
    %add3A_140 = arith.addi %mul3A_2, %add3A_139 : i32
    %dma_start3A_141 = arith.constant 0 : i32
    %dma_start3A_142 = tpu.memref_slice %arg4[%add3A_140, %dma_start3A_141] : memref<4096x1024xf32, #tpu.memory_space<hbm>> -> memref<56x1024xf32, #tpu.memory_space<hbm>>
    %dma_start3A_143 = arith.constant 0 : i32
    %dma_start3A_144 = tpu.memref_slice %arg4[%add3A_140, %dma_start3A_143] : memref<4096x1024xf32, #tpu.memory_space<hbm>> -> memref<56x1024xf32, #tpu.memory_space<hbm>>
    tpu.enqueue_dma source(%arg7 : memref<56x1024xf32, #tpu.memory_space<vmem>>) target(%dma_start3A_144 : memref<56x1024xf32, #tpu.memory_space<hbm>>) target_semaphore(%arg11 : memref<!tpu.dma_semaphore, #tpu.memory_space<semaphore_mem>>)
    %dma_wait3A_145 = arith.constant 0 : i32
    %dma_wait3A_146 = arith.constant 0 : i32
    %dma_wait3A_147 = tpu.memref_slice %arg6[%dma_wait3A_145, %dma_wait3A_146] : memref<64x1024xf32, #tpu.memory_space<vmem>> -> memref<8x1024xf32, #tpu.memory_space<vmem>>
    %dma_wait3A_148 = arith.constant 120 : i32
    %dma_wait3A_149 = tpu.memref_slice %arg5[%dma_wait3A_148] : memref<128xi32, #tpu.memory_space<vmem>> -> memref<8xi32, #tpu.memory_space<vmem>>
    %dma_wait3A_150 = arith.constant 0 : i32
    %dma_wait3A_151 = arith.constant 0 : i32
    %dma_wait3A_152 = tpu.memref_slice %arg3[%dma_wait3A_150, %dma_wait3A_151] : memref<32768x1024xf32, #tpu.memory_space<hbm>> -> memref<32768x1024xf32, #tpu.memory_space<hbm>>
    tpu.wait_indirect_dma semaphore(%arg8 : memref<!tpu.dma_semaphore, #tpu.memory_space<semaphore_mem>>) src(%dma_wait3A_152 : memref<32768x1024xf32, #tpu.memory_space<hbm>>) dst(%dma_wait3A_147 : memref<8x1024xf32, #tpu.memory_space<vmem>>)
    %add3A_153 = arith.constant 64 : i32
    %add3A_154 = arith.addi %mul3A_2, %add3A_153 : i32
    %add3A_155 = arith.constant 56 : i32
    %add3A_156 = arith.addi %add3A_154, %add3A_155 : i32
    "tpu.region"() ({
      %run_scoped3A = tpu.sem_alloc : memref<!tpu.dma_semaphore, #tpu.memory_space<semaphore_mem>>
      %dma_start3A_161 = arith.constant 0 : i32
      %dma_start3A_162 = arith.constant 0 : i32
      %dma_start3A_163 = tpu.memref_slice %arg6[%dma_start3A_161, %dma_start3A_162] : memref<64x1024xf32, #tpu.memory_space<vmem>> -> memref<8x1024xf32, #tpu.memory_space<vmem>>
      %dma_start3A_164 = arith.constant 0 : i32
      %dma_start3A_165 = tpu.memref_slice %arg4[%add3A_156, %dma_start3A_164] : memref<4096x1024xf32, #tpu.memory_space<hbm>> -> memref<8x1024xf32, #tpu.memory_space<hbm>>
      %dma_start3A_166 = arith.constant 0 : i32
      %dma_start3A_167 = tpu.memref_slice %arg4[%add3A_156, %dma_start3A_166] : memref<4096x1024xf32, #tpu.memory_space<hbm>> -> memref<8x1024xf32, #tpu.memory_space<hbm>>
      %dma_start3A_168 = arith.constant 0 : i32
      %dma_start3A_169 = arith.constant 0 : i32
      %dma_start3A_170 = tpu.memref_slice %arg6[%dma_start3A_168, %dma_start3A_169] : memref<64x1024xf32, #tpu.memory_space<vmem>> -> memref<8x1024xf32, #tpu.memory_space<vmem>>
      tpu.enqueue_dma source(%dma_start3A_170 : memref<8x1024xf32, #tpu.memory_space<vmem>>) target(%dma_start3A_167 : memref<8x1024xf32, #tpu.memory_space<hbm>>) target_semaphore(%run_scoped3A : memref<!tpu.dma_semaphore, #tpu.memory_space<semaphore_mem>>)
      %dma_wait3A_171 = arith.constant 0 : i32
      %dma_wait3A_172 = arith.constant 0 : i32
      %dma_wait3A_173 = tpu.memref_slice %arg6[%dma_wait3A_171, %dma_wait3A_172] : memref<64x1024xf32, #tpu.memory_space<vmem>> -> memref<8x1024xf32, #tpu.memory_space<vmem>>
      %dma_wait3A_174 = arith.constant 0 : i32
      %dma_wait3A_175 = tpu.memref_slice %arg4[%add3A_156, %dma_wait3A_174] : memref<4096x1024xf32, #tpu.memory_space<hbm>> -> memref<8x1024xf32, #tpu.memory_space<hbm>>
      %dma_wait3A_176 = arith.constant 0 : i32
      %dma_wait3A_177 = tpu.memref_slice %arg4[%add3A_156, %dma_wait3A_176] : memref<4096x1024xf32, #tpu.memory_space<hbm>> -> memref<8x1024xf32, #tpu.memory_space<hbm>>
      %dma_wait3A_178 = arith.constant 0 : i32
      %dma_wait3A_179 = arith.constant 0 : i32
      %dma_wait3A_180 = tpu.memref_slice %arg6[%dma_wait3A_178, %dma_wait3A_179] : memref<64x1024xf32, #tpu.memory_space<vmem>> -> memref<8x1024xf32, #tpu.memory_space<vmem>>
      tpu.wait_dma2 semaphore(%run_scoped3A : memref<!tpu.dma_semaphore, #tpu.memory_space<semaphore_mem>>) src(%dma_wait3A_180 : memref<8x1024xf32, #tpu.memory_space<vmem>>) dst(%dma_wait3A_177 : memref<8x1024xf32, #tpu.memory_space<hbm>>)
      tpu.yield
    }) : () -> ()
    %dma_wait3A_157 = arith.constant 0 : i32
    %dma_wait3A_158 = tpu.memref_slice %arg4[%add3A_140, %dma_wait3A_157] : memref<4096x1024xf32, #tpu.memory_space<hbm>> -> memref<56x1024xf32, #tpu.memory_space<hbm>>
    %dma_wait3A_159 = arith.constant 0 : i32
    %dma_wait3A_160 = tpu.memref_slice %arg4[%add3A_140, %dma_wait3A_159] : memref<4096x1024xf32, #tpu.memory_space<hbm>> -> memref<56x1024xf32, #tpu.memory_space<hbm>>
    tpu.wait_dma2 semaphore(%arg11 : memref<!tpu.dma_semaphore, #tpu.memory_space<semaphore_mem>>) src(%arg7 : memref<56x1024xf32, #tpu.memory_space<vmem>>) dst(%dma_wait3A_160 : memref<56x1024xf32, #tpu.memory_space<hbm>>)
    return
  }
}

</mosaic_0001>

<sc_bundles>
// kernel: kernel.3.cloned.1.call-start
scs
__scs_entry_jumppad:
0x0: {  	(pc) =	sbr.rel $0x88, $3  }
0x1: {  	(tag) =	ssettag $0x0;
	lr =	simm.s32 $0x1  }
0x2: {  	[smem:$0x3F9F] =	sst lr;
	_ =	strace $0xD0000000  }
0x3: {  	_ = 	snop  }
0x4: {  	_ = 	snop  }
0x5: {  	_ = 	snop  }
0x6: {  	_ = 	snop  }
0x7: {  	_ = 	snop  }
__scs_overlays_trampoline_lowered:
0x8: {  	[smem:$0x3FAE] =	sst s0  }
0x9: {  	[smem:$0x3FAF] =	sst s1  }
0xa: {  	[smem:$0x3FB0] =	sst s2  }
0xb: {  	[smem:$0x3FB1] =	sst s3  }
0xc: {  	[smem:$0x3FB2] =	sst s4  }
0xd: {  	[smem:$0x3FB3] =	sst s5  }
0xe: {  	[smem:$0x3FB4] =	sst s6  }
0xf: {  	[smem:$0x3FB5] =	sst s7  }
0x10: {  	[smem:$0x3FB6] =	sst s8  }
0x11: {  	[smem:$0x3FB7] =	sst s9;
	s0 =	simm.s32 @!p0 $0x0  }
0x12: {  	s1 =	sld [smem:$0x3F9D];
	s0 =	simm.s32 @p0 $0x1  }
0x13: {  	[smem:$0x3FB8] =	sst s0;
	s0 =	simm.s32 @!p1 $0x0  }
0x14: {  	s2 =	sld [smem:$0x3F9C];
	s0 =	simm.s32 @p1 $0x1  }
0x15: {  	[smem:$0x3FB9] =	sst s0;
	s0 =	simm.s32 @!p2 $0x0  }
0x16: {  	s3 =	sld [smem:$0x3FDB];
	s0 =	simm.s32 @p2 $0x1  }
0x17: {  	s4 =	simm.s32 $0x1BF5;
	[smem:$0x3FBB] =	sst s0  }
0x18: {  	s0 =	sld [smem:$0x3F9E];
	_ =	swait.ge [sflag:s4], $0x0  }
0x19: {  	s7 =	sld [smem:$0x3F9F]  }
0x1a: {  	s8 =	sadd.s32 $0xFFFFE003, lr  }
0x1b: {  	s9 =	sadd.s32 $0xFFFFFEF7, lr;
	s5 =	simm.s32 $0xFFFFFFFF;
	p2 =	slt.u32 s8, $0xFFFFF086  }
0x1c: {  	p1 =	slt.u32 s9, $0xF7A;
	s5 =	simm.s32 @!p2 $0x0  }
0x1d: {  	s5 =	simm.s32 @p1 $0x1;
	p0 =	seq.s32 s7, s2  }
0x1e: {  	s7 =	smul.u32 @!p0 $0xF7A, s2;
	p2 =	seq.s32 @!p0 s5, $0x0  }
0x1f: {  	s9 =	smul.u32 $0xF7A, s1;
	s8 =	simm.s32 @!p0 $0x1BF5;
	p2 =	por !p2, p0  }
0x20: {  	[sflag:s8] =	ssyncset.s32 @!p0 $0xFFFFF086;
	s6 =	sadd.s32 @!p0 s3, s7;
	s7 =	simm.s32 @!p0 $0x108  }
0x21: {  	s3 =	sadd.s32 s3, s9;
	s6 =	sadd.s32 @!p0 $0x88, s6;
	s7 =	simm.s32 @p2 $0x1082  }
0x22: {  	[simem:s7], [sflag:s8] =	dma.local @!p0 [hbm:s6], $0xF7A  }
0x23: {  	s9 =	sor.u32 $0xD0000000, s2;
	s6 =	simm.s32 $0x108;
	_ =	swait.ge @!p0 [sflag:s8], $0x0  }
0x24: {  	s3 =	sadd.s32 $0x88, s3;
	s6 =	simm.s32 @!p1 $0x1082;
	[sflag:s4] =	ssyncset.s32 $0xFFFFF086  }
0x25: {  	[simem:s6], [sflag:s4] =	dma.local [hbm:s3], $0xF7A  }
0x26: {  	[smem:$0x3F9F] =	sst s1;
	(tag) =	ssettag s2;
	_ =	strace s9  }
0x27: {  	s1 =	sld [smem:$0x3FAF]  }
0x28: {  	s2 =	sld [smem:$0x3FB0]  }
0x29: {  	s4 =	sld [smem:$0x3FB2]  }
0x2a: {  	p0 =	seq.s32 s5, $0x0;
	s5 =	sld [smem:$0x3FB3]  }
0x2b: {  	s6 =	sld [smem:$0x3FB4]  }
0x2c: {  	s7 =	sld [smem:$0x3FB5]  }
0x2d: {  	s3 =	simm.s32 $0x108;
	s8 =	sld [smem:$0x3FB6]  }
0x2e: {  	s3 =	simm.s32 @!p0 $0x1082;
	s9 =	sld [smem:$0x3FB7]  }
0x2f: {  	lr =	sadd.s32 s0, s3;
	s0 =	sld [smem:$0x3FAE]  }
0x30: {  	s3 =	sld [smem:$0x3FB1]  }
0x31: {  	[smem:$0x3FBA] =	sst s10  }
0x32: {  	s10 =	sld [smem:$0x3FB8];
	_ =	sdelay $0x3  }
0x33: {  	p0 =	seq.s32 s10, $0x1;
	s10 =	sld [smem:$0x3FBA];
	_ =	sdelay $0x3  }
0x34: {  	[smem:$0x3FBA] =	sst s10  }
0x35: {  	s10 =	sld [smem:$0x3FB9];
	_ =	sdelay $0x3  }
0x36: {  	p1 =	seq.s32 s10, $0x1;
	s10 =	sld [smem:$0x3FBA];
	_ =	sdelay $0x3  }
0x37: {  	[smem:$0x3FBA] =	sst s10  }
0x38: {  	s10 =	sld [smem:$0x3FBB]  }
0x39: {  	_ = 	snop;
	(pc) =	sbr.ind lr, $3  }
0x3a: {  	_ = 	snop  }
0x3b: {  	_ = 	snop  }
0x3c: {  	p2 =	seq.s32 s10, $0x1;
	s10 =	sld [smem:$0x3FBA]  }
0x3d: {  	_ =	shalt  }
0x3e: {  	_ =	shalt  }
0x3f: {  	_ =	shalt  }
0x40: {  	_ =	shalt  }
0x41: {  	_ =	shalt  }
0x42: {  	_ =	shalt  }
0x43: {  	_ =	shalt  }
0x44: {  	_ =	shalt  }
0x45: {  	_ =	shalt  }
0x46: {  	_ =	shalt  }
0x47: {  	_ =	shalt  }
0x48: {  	_ =	shalt  }
0x49: {  	_ =	shalt  }
0x4a: {  	_ =	shalt  }
0x4b: {  	_ =	shalt  }
0x4c: {  	_ =	shalt  }
0x4d: {  	_ =	shalt  }
0x4e: {  	_ =	shalt  }
0x4f: {  	_ =	shalt  }
0x50: {  	_ =	shalt  }
0x51: {  	_ =	shalt  }
0x52: {  	_ =	shalt  }
0x53: {  	_ =	shalt  }
0x54: {  	_ =	shalt  }
0x55: {  	_ =	shalt  }
0x56: {  	_ =	shalt  }
0x57: {  	_ =	shalt  }
0x58: {  	_ =	shalt  }
0x59: {  	_ =	shalt  }
0x5a: {  	_ =	shalt  }
0x5b: {  	_ =	shalt  }
0x5c: {  	_ =	shalt  }
0x5d: {  	_ =	shalt  }
0x5e: {  	_ =	shalt  }
0x5f: {  	_ =	shalt  }
0x60: {  	_ =	shalt  }
0x61: {  	_ =	shalt  }
0x62: {  	_ =	shalt  }
0x63: {  	_ =	shalt  }
0x64: {  	_ =	shalt  }
0x65: {  	_ =	shalt  }
0x66: {  	_ =	shalt  }
0x67: {  	_ =	shalt  }
0x68: {  	_ =	shalt  }
0x69: {  	_ =	shalt  }
0x6a: {  	_ =	shalt  }
0x6b: {  	_ =	shalt  }
0x6c: {  	_ =	shalt  }
0x6d: {  	_ =	shalt  }
0x6e: {  	_ =	shalt  }
0x6f: {  	_ =	shalt  }
0x70: {  	_ =	shalt  }
0x71: {  	_ =	shalt  }
0x72: {  	_ =	shalt  }
0x73: {  	_ =	shalt  }
0x74: {  	_ =	shalt  }
0x75: {  	_ =	shalt  }
0x76: {  	_ =	shalt  }
0x77: {  	_ =	shalt  }
0x78: {  	_ =	shalt  }
0x79: {  	_ =	shalt  }
0x7a: {  	_ =	shalt  }
0x7b: {  	_ =	shalt  }
0x7c: {  	_ =	shalt  }
0x7d: {  	_ =	shalt  }
0x7e: {  	_ =	shalt  }
0x7f: {  	_ =	shalt  }
0x80: {  	_ =	shalt  }
0x81: {  	_ =	shalt  }
0x82: {  	_ =	shalt  }
0x83: {  	_ =	shalt  }
0x84: {  	_ =	shalt  }
0x85: {  	_ =	shalt  }
0x86: {  	_ =	shalt  }
0x87: {  	_ =	shalt  }
.Lfunc_end0:
.L_simem_size_0:
called_computation_lowered:
.L_overlay_start_0:
0x88: {  	s2 =	sld [smem:$0x3FD9]  }
0x89: {  	s3 =	sld [smem:$0x3FFE];
	_ =	sdelay $0x1  }
0x8a: {  	s1 =	srdreg.scid  }
0x8b: {  	s0 =	sand.u32 $0x1, s1  }
0x8c: {  	s18 =	sshll.u32 s0, $0xA;
	s2 =	sadd.s32 s3, s2  }
0x8d: {  	s2 =	sadd.s32 s2, s18  }
0x8e: {  	[smem:$0x3FC6] =	sst s2  }
0x8f: {  	_ = 	snop  }
0x90: {  	s2 =	sld [smem:$0x3FC9]  }
0x91: {  	s19 =	sld [smem:$0x3FC8]  }
0x92: {  	s4 =	sld [smem:$0x3FD0];
	(tm) =	ssettm $0x1  }
0x93: {  	s5 =	sld [smem:$0x3FFB];
	_ =	sdelay $0x3  }
0x94: {  	_ =	strace s5  }
0x95: {  	s5 =	sld [smem:$0x3FFC];
	_ =	sdelay $0x3  }
0x96: {  	_ =	strace s5  }
0x97: {  	s5 =	sld [smem:$0x3FFD];
	_ =	sdelay $0x3  }
0x98: {  	_ =	strace s5  }
0x99: {  	_ =	strace $0x8FFFFFFF  }
0x9a: {  	s20 =	sld [smem:$0x3FDB];
	_ =	sdelay $0x1  }
0x9b: {  	s6 =	simm.s32 $_scs_section_size  }
0x9c: {  	s7 =	simm.s32 $_size__tile_overlayer_lowered;
	s8 =	simm.s32 $_tile_overlayer_lowered  }
0x9d: {  	s23 =	simm.s32 $0x1BFF;
	s22 =	sshll.u32 s8, $0x1;
	s5 =	sadd.s32 s6, s20  }
0x9e: {  	s9 =	simm.s32 $0x0;
	s21 =	sshll.u32 s7, $0x1;
	s7 =	sadd.s32 s22, s5  }
0x9f: {  	[timem:s9], [sflag:s23] =	dma.local [hbm:s7], s21  }
0xa0: {  	_ =	swait.ge [sflag:s23], s21  }
0xa1: {  	s6 =	ssub.s32 $0x0, s21;
	[sflag:s23] =	ssyncset.done $0x0  }
0xa2: {  	[sflag:s23] =	ssyncadd.s32 s6;
	_ =	sdelay $0x1  }
0xa3: {  	s24 =	simm.s32 $0x1B8B  }
0xa4: {  	_ =	swait.ge [sflag:s24], $0x1  }
0xa5: {  	[sflag:s24] =	ssyncset.done $0x0  }
0xa6: {  	s25 =	simm.s32 $0x1B8E;
	[sflag:s24] =	ssyncadd.s32 $0xFFFFFFFF  }
0xa7: {  	s26 =	simm.s32 $execute0_lowered;
	[smem:$0x3FD2] =	sst s25  }
0xa8: {  	s6 =	sshll.u32 s26, $0x1;
	_ =	strace $0x80000046;
	[dreg:$0x1] =	wrdreg $0xFFFFFFFF  }
0xa9: {  	s28 =	simm.s32 $_size_execute0_lowered;
	s5 =	sadd.s32 s5, s6;
	[dreg:$0x0] =	wrdreg $0x0  }
0xaa: {  	s6 =	sshll.u32 s28, $0x1;
	[dreg:$0x2] =	wrdreg s5  }
0xab: {  	[dreg:$0x3] =	wrdreg s6  }
0xac: {  	[dreg:$0x4] =	wrdreg $0xC0  }
0xad: {  	_ =	task [dreg:s9], $0x5FFFF  }
0xae: {  	[dreg:$0x1] =	wrdreg $0xFFFFFFFF  }
0xaf: {  	[dreg:$0x0] =	wrdreg $0x60  }
0xb0: {  	[dreg:$0x2] =	wrdreg s19  }
0xb1: {  	[dreg:$0x3] =	wrdreg s2  }
0xb2: {  	[dreg:$0x4] =	wrdreg s4  }
0xb3: {  	[dreg:$0x5] =	wrdreg $0x9  }
0xb4: {  	_ =	task.clear_ibuf [dreg:s9], $0x6FFFF;
	_ =	strace $0x90000046  }
0xb5: {  	s29 =	simm.s32 $0x9;
	_ =	strace $0x80000048  }
0xb6: {  	_ =	swait.ge [sflag:s29], $0x1  }
0xb7: {  	[sflag:s29] =	ssyncadd.s32 $0xFFFFFFFF  }
0xb8: {  	_ =	strace $0x90000048  }
0xb9: {  	_ =	sfence  }
0xba: {  	s30 =	sld [smem:$0x0];
	_ =	sdelay $0x2  }
0xbb: {  	s31 =	sshll.u32 s1, $0xD;
	s1 =	sshrl.u32 s1, $0x2  }
0xbc: {  	s3 =	sand.u32 $0x4000, s31;
	s1 =	sadd.s32 s1, s30  }
0xbd: {  	s0 =	sor.u32 s3, s0;
	s1 =	sshll.u32 s1, $0x11  }
0xbe: {  	s0 =	sor.u32 s1, s0  }
0xbf: {  	s0 =	sadd.s32 $0x8F2B, s0  }
0xc0: {  	[sflag:s0] =	ssyncadd.remote.s32 $0x1  }
0xc1: {  	_ =	sfence.sel $0xFFFF  }
0xc2: {  	[dreg:$0x0] =	wrdreg $0xFFFFFFFF;
	(pc) =	sbr.abs _section_cstart, $3  }
0xc3: {  	[dreg:$0x1] =	wrdreg $0xFFFFFFFF  }
0xc4: {  	_ =	task.clear_ibuf [dreg:s9], $0x2FFFF;
	_ =	strace $0x9FFFFFFF  }
0xc5: {  	(tm) =	ssettm $0x7FFFFFFF  }
tec
execute0_lowered:
.L_overlay_start_1:
0x0: {  	(tag) =	ssettag $0x1  }
0x1: {  	s1 =	srdreg.scid  }
0x2: {  	s0 =	stileid.u32;
	s5 =	sand.u32 $0x1, s1  }
0x3: {  	s9 =	sshll.u32 s0, $0x8;
	s2 =	sshll.u32 s5, $0x7  }
0x4: {  	s4 =	rddreg [dreg:$0x0];
	s6 =	sor.u32 s2, s9  }
0x5: {  	s7 =	rddreg [dreg:$0x2];
	s3 =	sshll.u32 s6, $0x2  }
0x6: {  	s2 =	rddreg [dreg:$0x1];
	s8 =	sand.u32 $0xE00, s3;
	s3 =	simm.s32 $0x0  }
0x7: {  	s11 =	simm.s32 $0x2080;
	[smem:$0x7FF] =	sst s3  }
0x8: {  	s12 =	simm.s32 $0x2880;
	_ =	strace $0x80000047;
	[dreg:$0x7] =	wrdreg s11  }
0x9: {  	s13 =	simm.s32 $0x3080;
	[dreg:$0x8] =	wrdreg s12  }
0xa: {  	s14 =	simm.s32 $0x3880;
	[dreg:$0x9] =	wrdreg s13  }
0xb: {  	s15 =	simm.s32 $0x4080;
	[dreg:$0xa] =	wrdreg s14  }
0xc: {  	s16 =	simm.s32 $0x4880;
	[dreg:$0xb] =	wrdreg s15  }
0xd: {  	s17 =	simm.s32 $0x5080;
	[dreg:$0xc] =	wrdreg s16  }
0xe: {  	s18 =	simm.s32 $0x5880;
	[dreg:$0xd] =	wrdreg s17  }
0xf: {  	s19 =	simm.s32 $0x6080;
	[dreg:$0xe] =	wrdreg s18  }
0x10: {  	s20 =	simm.s32 $0x6880;
	[dreg:$0xf] =	wrdreg s19  }
0x11: {  	s21 =	simm.s32 $0x7080;
	[dreg:$0x10] =	wrdreg s20  }
0x12: {  	s22 =	simm.s32 $0x7880;
	[dreg:$0x11] =	wrdreg s21  }
0x13: {  	s23 =	simm.s32 $0x8080;
	[dreg:$0x12] =	wrdreg s22  }
0x14: {  	s24 =	simm.s32 $0x8880;
	[dreg:$0x13] =	wrdreg s23  }
0x15: {  	s25 =	simm.s32 $0x9080;
	s26 =	simm.s32 $0x9880;
	[dreg:$0x14] =	wrdreg s24  }
0x16: {  	s28 =	simm.s32 $0x1D080;
	s1 =	sshrl.u32 s0, $0x2;
	[dreg:$0x15] =	wrdreg s25  }
0x17: {  	s0 =	simm.s32 $0xA080;
	s9 =	sshll.u32 s1, $0x7;
	[dreg:$0x16] =	wrdreg s26  }
0x18: {  	s8 =	sor.u32 s9, s8;
	s9 =	simm.s32 $0xB880;
	[dreg:$0x17] =	wrdreg s0  }
0x19: {  	s29 =	simm.s32 $0x1D880;
	[dreg:$0x1a] =	wrdreg s9;
	s11 =	simm.s32 $0xC880  }
0x1a: {  	s30 =	simm.s32 $0x3;
	s12 =	simm.s32 $0xD080;
	[dreg:$0x1c] =	wrdreg s11  }
0x1b: {  	s31 =	simm.s32 $0x2;
	s13 =	simm.s32 $0xD880;
	[dreg:$0x1d] =	wrdreg s12  }
0x1c: {  	s5 =	ssub.s32 $0x2, s5;
	s14 =	simm.s32 $0xE080;
	[dreg:$0x1e] =	wrdreg s13  }
0x1d: {  	s1 =	sshll.u32 s1, $0xD;
	s15 =	simm.s32 $0xE880;
	[dreg:$0x1f] =	wrdreg s14  }
0x1e: {  	s6 =	sshll.u32 s6, $0x7;
	s16 =	simm.s32 $0xF080;
	[smem:$0x7ED] =	sst s15  }
0x1f: {  	v0 =	vmov s1;
	s1 =	simm.s32 $0x4;
	s17 =	simm.s32 $0xF880;
	[smem:$0x7EE] =	sst s16  }
0x20: {  	s8 =	sshrl.u32 s8, $0x3;
	s18 =	simm.s32 $0x10880;
	[smem:$0x7EF] =	sst s17  }
0x21: {  	s19 =	sshrl.u32 s5, $0x1;
	s20 =	simm.s32 $0x11080;
	[smem:$0x7F0] =	sst s18  }
0x22: {  	s22 =	simm.s32 $0x11880;
	s23 =	simm.s32 $0x12080;
	[smem:$0x7F1] =	sst s20  }
0x23: {  	s24 =	simm.s32 $0x12880;
	s25 =	simm.s32 $0x13080;
	[smem:$0x7F2] =	sst s22  }
0x24: {  	s26 =	simm.s32 $0x13880;
	s9 =	simm.s32 $0x5;
	[smem:$0x7F3] =	sst s23  }
0x25: {  	s8 =	sadd.s32 s4, s8;
	s4 =	sadd.s32 s7, s6;
	[smem:$0x7F4] =	sst s24  }
0x26: {  	s7 =	simm.s32 $0xA880;
	s21 =	ssub.s32 s5, s19;
	[smem:$0x7F5] =	sst s25  }
0x27: {  	s5 =	sadd.s32 $0x100, s2;
	[smem:$0x7F6] =	sst s26;
	s11 =	simm.s32 $0x14880  }
0x28: {  	s12 =	simm.s32 $0x15080;
	s13 =	simm.s32 $0x15880;
	s14 =	simm.s32 $0x16080  }
0x29: {  	s15 =	simm.s32 $0x16880;
	s16 =	simm.s32 $0x17080;
	[dreg:$0x4] =	wrdreg s8  }
0x2a: {  	s17 =	simm.s32 $0x18080;
	s18 =	simm.s32 $0x18880;
	[dreg:$0x18] =	wrdreg s7  }
0x2b: {  	s19 =	simm.s32 $0x19080;
	s20 =	simm.s32 $0x19880;
	[smem:$0x7F8] =	sst s11  }
0x2c: {  	s22 =	simm.s32 $0x1A880;
	s23 =	simm.s32 $0x1B080;
	[smem:$0x7F9] =	sst s12  }
0x2d: {  	s24 =	simm.s32 $0x1B880;
	s25 =	simm.s32 $0x1C080;
	[smem:$0x7FA] =	sst s13  }
0x2e: {  	s26 =	simm.s32 $0x1C880;
	s6 =	sadd.s32 $0x2000, s4;
	[smem:$0x7FB] =	sst s14  }
0x2f: {  	s10 =	sadd.s32 $0x3C00, s4;
	s8 =	simm.s32 $0xB080;
	[smem:$0x7FC] =	sst s15  }
0x30: {  	s7 =	sadd.s32 $0x300, s2;
	s11 =	simm.s32 $0x880;
	[smem:$0x7FD] =	sst s16  }
0x31: {  	s12 =	simm.s32 $0x1080;
	s13 =	simm.s32 $0x1880;
	[dreg:$0x5] =	wrdreg s6  }
0x32: {  	s14 =	simm.s32 $0x1;
	s15 =	simm.s32 $0x10080;
	[dreg:$0x6] =	wrdreg s10  }
0x33: {  	v3 =	vlaneseq.u32;
	[dreg:$0x19] =	wrdreg s8;
	s10 =	simm.s32 $0xC080;
	s6 =	sadd.s32 $0x200, s2  }
0x34: {  	vm0 =	vmmov $0xffff;
	v2 =	vshrl.u32 v3, $0x3;
	s8 =	smax.u32 s21, $0x1;
	[dreg:$0x1b] =	wrdreg s10;
	s10 =	simm.s32 $0x14080  }
0x35: {  	v1 =	vand.u32 $0x7, v3;
	v3 =	vor.u32 $0x8, v3;
	v2 =	vmul.u32 $0x8, v2;
	s21 =	simm.s32 $0x1A080;
	[smem:$0x7F7] =	sst s10;
	s10 =	simm.s32 $0x80  }
.LBB2_1:
0x36: {  	s0 =	rddreg [dreg:$0x4]  }
0x37: {  	[tilespmem:s3], [sflag:$0x5] =	stream.linear.gather [hbm4b:s0+s3], $0x80, $0x38;
	[tilespmem:$0x1E080] =	vst v63  }
0x38: {  	_ =	swait.ge [sflag:s9], $0x80  }
0x39: {  	[sflag:s9] =	ssyncset.done $0x0  }
0x3a: {  	[sflag:s9] =	ssyncadd.s32 $0xFFFFFF80  }
0x3b: {  	v4 =	vld [tilespmem:$0x0];
	_ =	sdelay $0x2  }
0x3c: {  	v5 =	vld [tilespmem:$0x10]  }
0x3d: {  	v6 =	vld [tilespmem:$0x20]  }
0x3e: {  	v8 =	vld [tilespmem:$0x30];
	v7 =	vadd.s32 v0, v4  }
0x3f: {  	v9 =	vld [tilespmem:$0x40];
	v10 =	vshll.u32 v7, $0x3  }
0x40: {  	v11 =	vld [tilespmem:$0x50];
	v4 =	vand.u32 $0x7, v4;
	v10 =	vand.u32 $0xFFFFFFC0, v10  }
0x41: {  	v61 =	vld [tilespmem:$0x60];
	v5 =	vadd.s32 v0, v5;
	[tilespmem:$0x0] =	vst v7;
	v4 =	vor.u32 v4, v10  }
0x42: {  	v62 =	vld [tilespmem:$0x70];
	[tilespmem:$0x10] =	vst v5;
	v5 =	vadd.s32 v0, v6;
	v10 =	vperm.xlane v4, v1  }
0x43: {  	[tilespmem:$0x20] =	vst v5;
	v5 =	vadd.s32 v0, v8  }
0x44: {  	[tilespmem:$0x30] =	vst v5;
	v5 =	vadd.s32 v0, v9;
	v63 =	vadd.s32 v2, v10  }
0x45: {  	[tilespmem:$0x40] =	vst v5;
	v5 =	vadd.s32 v0, v11  }
0x46: {  	[tilespmem:$0x50] =	vst v5;
	v5 =	vadd.s32 v0, v61  }
0x47: {  	[tilespmem:$0x60] =	vst v5;
	v5 =	vadd.s32 v0, v62  }
0x48: {  	[tilespmem:$0x70] =	vst v5  }
0x49: {  	[tilespmem:s10], [sflag:$0x1] =	stream.indirect_vreg.gather [hbm4b:s2+s3], $0x80, v63, vm0, $0xb8;
	[tilespmem:$0x1E080] =	vst v63  }
0x4a: {  	v4 =	vperm.xlane v4, v3  }
0x4b: {  	[tilespmem:s11], [sflag:$0x1] =	stream.indirect_vreg.gather [hbm4b:s5+s3], $0x80, v63, vm0, $0xb8;
	[tilespmem:$0x1E080] =	vst v63  }
0x4c: {  	v4 =	vadd.s32 v2, v4  }
0x4d: {  	[tilespmem:s12], [sflag:$0x1] =	stream.indirect_vreg.gather [hbm4b:s6+s3], $0x80, v63, vm0, $0xb8;
	[tilespmem:$0x1E080] =	vst v63  }
0x4e: {  	_ = 	snop  }
0x4f: {  	[tilespmem:s13], [sflag:$0x1] =	stream.indirect_vreg.gather [hbm4b:s7+s3], $0x80, v63, vm0, $0xb8;
	[tilespmem:$0x1E080] =	vst v63  }
0x50: {  	s0 =	rddreg [dreg:$0x7]  }
0x51: {  	[tilespmem:s0], [sflag:$0x1] =	stream.indirect_vreg.gather [hbm4b:s2+s3], $0x80, v4, vm0, $0xb8;
	[tilespmem:$0x1E080] =	vst v63  }
0x52: {  	s16 =	rddreg [dreg:$0x8]  }
0x53: {  	[tilespmem:s16], [sflag:$0x1] =	stream.indirect_vreg.gather [hbm4b:s5+s3], $0x80, v4, vm0, $0xb8;
	[tilespmem:$0x1E080] =	vst v63  }
0x54: {  	s0 =	rddreg [dreg:$0x9]  }
0x55: {  	[tilespmem:s0], [sflag:$0x1] =	stream.indirect_vreg.gather [hbm4b:s6+s3], $0x80, v4, vm0, $0xb8;
	[tilespmem:$0x1E080] =	vst v63  }
0x56: {  	s16 =	rddreg [dreg:$0xa]  }
0x57: {  	[tilespmem:s16], [sflag:$0x1] =	stream.indirect_vreg.gather [hbm4b:s7+s3], $0x80, v4, vm0, $0xb8;
	[tilespmem:$0x1E080] =	vst v63  }
0x58: {  	v4 =	vld [tilespmem:$0x10];
	_ =	sdelay $0x4  }
0x59: {  	v5 =	vshll.u32 v4, $0x3  }
0x5a: {  	v4 =	vand.u32 $0x7, v4;
	v5 =	vand.u32 $0xFFFFFFC0, v5  }
0x5b: {  	v4 =	vor.u32 v4, v5  }
0x5c: {  	v5 =	vperm.xlane v4, v1;
	_ =	sdelay $0x1  }
0x5d: {  	v5 =	vadd.s32 v2, v5;
	_ =	sdelay $0x3  }
0x5e: {  	s0 =	rddreg [dreg:$0xb]  }
0x5f: {  	[tilespmem:s0], [sflag:$0x1] =	stream.indirect_vreg.gather [hbm4b:s2+s3], $0x80, v5, vm0, $0xb8;
	[tilespmem:$0x1E080] =	vst v63  }
0x60: {  	s16 =	rddreg [dreg:$0xc];
	v4 =	vperm.xlane v4, v3  }
0x61: {  	[tilespmem:s16], [sflag:$0x1] =	stream.indirect_vreg.gather [hbm4b:s5+s3], $0x80, v5, vm0, $0xb8;
	[tilespmem:$0x1E080] =	vst v63  }
0x62: {  	v4 =	vadd.s32 v2, v4;
	s0 =	rddreg [dreg:$0xd]  }
0x63: {  	[tilespmem:s0], [sflag:$0x1] =	stream.indirect_vreg.gather [hbm4b:s6+s3], $0x80, v5, vm0, $0xb8;
	[tilespmem:$0x1E080] =	vst v63  }
0x64: {  	s16 =	rddreg [dreg:$0xe]  }
0x65: {  	[tilespmem:s16], [sflag:$0x1] =	stream.indirect_vreg.gather [hbm4b:s7+s3], $0x80, v5, vm0, $0xb8;
	[tilespmem:$0x1E080] =	vst v63  }
0x66: {  	s0 =	rddreg [dreg:$0xf]  }
0x67: {  	[tilespmem:s0], [sflag:$0x1] =	stream.indirect_vreg.gather [hbm4b:s2+s3], $0x80, v4, vm0, $0xb8;
	[tilespmem:$0x1E080] =	vst v63  }
0x68: {  	s16 =	rddreg [dreg:$0x10]  }
0x69: {  	[tilespmem:s16], [sflag:$0x1] =	stream.indirect_vreg.gather [hbm4b:s5+s3], $0x80, v4, vm0, $0xb8;
	[tilespmem:$0x1E080] =	vst v63  }
0x6a: {  	s0 =	rddreg [dreg:$0x11]  }
0x6b: {  	[tilespmem:s0], [sflag:$0x1] =	stream.indirect_vreg.gather [hbm4b:s6+s3], $0x80, v4, vm0, $0xb8;
	[tilespmem:$0x1E080] =	vst v63  }
0x6c: {  	s16 =	rddreg [dreg:$0x12]  }
0x6d: {  	[tilespmem:s16], [sflag:$0x1] =	stream.indirect_vreg.gather [hbm4b:s7+s3], $0x80, v4, vm0, $0xb8;
	[tilespmem:$0x1E080] =	vst v63  }
0x6e: {  	v4 =	vld [tilespmem:$0x20];
	_ =	sdelay $0x4  }
0x6f: {  	v5 =	vshll.u32 v4, $0x3  }
0x70: {  	v4 =	vand.u32 $0x7, v4;
	v5 =	vand.u32 $0xFFFFFFC0, v5  }
0x71: {  	v4 =	vor.u32 v4, v5  }
0x72: {  	v5 =	vperm.xlane v4, v1;
	_ =	sdelay $0x1  }
0x73: {  	v5 =	vadd.s32 v2, v5;
	_ =	sdelay $0x3  }
0x74: {  	s0 =	rddreg [dreg:$0x13]  }
0x75: {  	[tilespmem:s0], [sflag:$0x1] =	stream.indirect_vreg.gather [hbm4b:s2+s3], $0x80, v5, vm0, $0xb8;
	[tilespmem:$0x1E080] =	vst v63  }
0x76: {  	s16 =	rddreg [dreg:$0x14];
	v4 =	vperm.xlane v4, v3  }
0x77: {  	[tilespmem:s16], [sflag:$0x1] =	stream.indirect_vreg.gather [hbm4b:s5+s3], $0x80, v5, vm0, $0xb8;
	[tilespmem:$0x1E080] =	vst v63  }
0x78: {  	v4 =	vadd.s32 v2, v4;
	s0 =	rddreg [dreg:$0x15]  }
0x79: {  	[tilespmem:s0], [sflag:$0x1] =	stream.indirect_vreg.gather [hbm4b:s6+s3], $0x80, v5, vm0, $0xb8;
	[tilespmem:$0x1E080] =	vst v63  }
0x7a: {  	s16 =	rddreg [dreg:$0x16]  }
0x7b: {  	[tilespmem:s16], [sflag:$0x1] =	stream.indirect_vreg.gather [hbm4b:s7+s3], $0x80, v5, vm0, $0xb8;
	[tilespmem:$0x1E080] =	vst v63  }
0x7c: {  	s0 =	rddreg [dreg:$0x17]  }
0x7d: {  	[tilespmem:s0], [sflag:$0x1] =	stream.indirect_vreg.gather [hbm4b:s2+s3], $0x80, v4, vm0, $0xb8;
	[tilespmem:$0x1E080] =	vst v63  }
0x7e: {  	s16 =	rddreg [dreg:$0x18]  }
0x7f: {  	[tilespmem:s16], [sflag:$0x1] =	stream.indirect_vreg.gather [hbm4b:s5+s3], $0x80, v4, vm0, $0xb8;
	[tilespmem:$0x1E080] =	vst v63  }
0x80: {  	s0 =	rddreg [dreg:$0x19]  }
0x81: {  	[tilespmem:s0], [sflag:$0x1] =	stream.indirect_vreg.gather [hbm4b:s6+s3], $0x80, v4, vm0, $0xb8;
	[tilespmem:$0x1E080] =	vst v63  }
0x82: {  	s16 =	rddreg [dreg:$0x1a]  }
0x83: {  	[tilespmem:s16], [sflag:$0x1] =	stream.indirect_vreg.gather [hbm4b:s7+s3], $0x80, v4, vm0, $0xb8;
	[tilespmem:$0x1E080] =	vst v63  }
0x84: {  	v4 =	vld [tilespmem:$0x30];
	_ =	sdelay $0x4  }
0x85: {  	v5 =	vshll.u32 v4, $0x3  }
0x86: {  	v4 =	vand.u32 $0x7, v4;
	v5 =	vand.u32 $0xFFFFFFC0, v5  }
0x87: {  	v4 =	vor.u32 v4, v5  }
0x88: {  	v5 =	vperm.xlane v4, v1;
	_ =	sdelay $0x1  }
0x89: {  	v5 =	vadd.s32 v2, v5;
	_ =	sdelay $0x2  }
0x8a: {  	s0 =	rddreg [dreg:$0x1b]  }
0x8b: {  	s16 =	rddreg [dreg:$0x1c]  }
0x8c: {  	[tilespmem:s0], [sflag:$0x1] =	stream.indirect_vreg.gather [hbm4b:s2+s3], $0x80, v5, vm0, $0xb8;
	[tilespmem:$0x1E080] =	vst v63  }
0x8d: {  	v4 =	vperm.xlane v4, v3;
	s0 =	rddreg [dreg:$0x1d]  }
0x8e: {  	[tilespmem:s16], [sflag:$0x1] =	stream.indirect_vreg.gather [hbm4b:s5+s3], $0x80, v5, vm0, $0xb8;
	[tilespmem:$0x1E080] =	vst v63  }
0x8f: {  	v4 =	vadd.s32 v2, v4;
	s16 =	rddreg [dreg:$0x1e]  }
0x90: {  	[tilespmem:s0], [sflag:$0x1] =	stream.indirect_vreg.gather [hbm4b:s6+s3], $0x80, v5, vm0, $0xb8;
	[tilespmem:$0x1E080] =	vst v63  }
0x91: {  	s0 =	rddreg [dreg:$0x1f]  }
0x92: {  	[tilespmem:s16], [sflag:$0x1] =	stream.indirect_vreg.gather [hbm4b:s7+s3], $0x80, v5, vm0, $0xb8;
	[tilespmem:$0x1E080] =	vst v63  }
0x93: {  	s16 =	sld [smem:$0x7ED]  }
0x94: {  	[tilespmem:s0], [sflag:$0x1] =	stream.indirect_vreg.gather [hbm4b:s2+s3], $0x80, v4, vm0, $0xb8;
	[tilespmem:$0x1E080] =	vst v63  }
0x95: {  	s0 =	sld [smem:$0x7EE]  }
0x96: {  	[tilespmem:s16], [sflag:$0x1] =	stream.indirect_vreg.gather [hbm4b:s5+s3], $0x80, v4, vm0, $0xb8;
	[tilespmem:$0x1E080] =	vst v63  }
0x97: {  	s16 =	sld [smem:$0x7EF]  }
0x98: {  	[tilespmem:s0], [sflag:$0x1] =	stream.indirect_vreg.gather [hbm4b:s6+s3], $0x80, v4, vm0, $0xb8;
	[tilespmem:$0x1E080] =	vst v63  }
0x99: {  	_ = 	snop  }
0x9a: {  	[tilespmem:s16], [sflag:$0x1] =	stream.indirect_vreg.gather [hbm4b:s7+s3], $0x80, v4, vm0, $0xb8;
	[tilespmem:$0x1E080] =	vst v63  }
0x9b: {  	_ =	swait.ge [sflag:s14], $0x10000  }
0x9c: {  	[sflag:s14] =	ssyncset.done $0x0  }
0x9d: {  	[sflag:s14] =	ssyncadd.s32 $0xFFFF0000  }
0x9e: {  	[hbm4b:s4+s3] =	stream.linear.scatter [tilespmem:s10], [sflag:$0x3], $0x10000, $0x38;
	[tilespmem:$0x1E080] =	vst v63  }
0x9f: {  	v4 =	vld [tilespmem:$0x40];
	_ =	sdelay $0x4  }
0xa0: {  	v5 =	vshll.u32 v4, $0x3  }
0xa1: {  	v4 =	vand.u32 $0x7, v4;
	v5 =	vand.u32 $0xFFFFFFC0, v5  }
0xa2: {  	v4 =	vor.u32 v4, v5  }
0xa3: {  	v5 =	vperm.xlane v4, v1;
	_ =	sdelay $0x1  }
0xa4: {  	v5 =	vadd.s32 v2, v5;
	_ =	sdelay $0x3  }
0xa5: {  	s0 =	sld [smem:$0x7F0]  }
0xa6: {  	[tilespmem:s15], [sflag:$0x2] =	stream.indirect_vreg.gather [hbm4b:s2+s3], $0x80, v5, vm0, $0xb8;
	[tilespmem:$0x1E080] =	vst v63  }
0xa7: {  	s16 =	sld [smem:$0x7F1];
	v4 =	vperm.xlane v4, v3  }
0xa8: {  	[tilespmem:s0], [sflag:$0x2] =	stream.indirect_vreg.gather [hbm4b:s5+s3], $0x80, v5, vm0, $0xb8;
	[tilespmem:$0x1E080] =	vst v63  }
0xa9: {  	v4 =	vadd.s32 v2, v4;
	s0 =	sld [smem:$0x7F2]  }
0xaa: {  	[tilespmem:s16], [sflag:$0x2] =	stream.indirect_vreg.gather [hbm4b:s6+s3], $0x80, v5, vm0, $0xb8;
	[tilespmem:$0x1E080] =	vst v63  }
0xab: {  	s16 =	sld [smem:$0x7F3]  }
0xac: {  	[tilespmem:s0], [sflag:$0x2] =	stream.indirect_vreg.gather [hbm4b:s7+s3], $0x80, v5, vm0, $0xb8;
	[tilespmem:$0x1E080] =	vst v63  }
0xad: {  	s0 =	sld [smem:$0x7F4]  }
0xae: {  	[tilespmem:s16], [sflag:$0x2] =	stream.indirect_vreg.gather [hbm4b:s2+s3], $0x80, v4, vm0, $0xb8;
	[tilespmem:$0x1E080] =	vst v63  }
0xaf: {  	s16 =	sld [smem:$0x7F5]  }
0xb0: {  	[tilespmem:s0], [sflag:$0x2] =	stream.indirect_vreg.gather [hbm4b:s5+s3], $0x80, v4, vm0, $0xb8;
	[tilespmem:$0x1E080] =	vst v63  }
0xb1: {  	s0 =	sld [smem:$0x7F6]  }
0xb2: {  	[tilespmem:s16], [sflag:$0x2] =	stream.indirect_vreg.gather [hbm4b:s6+s3], $0x80, v4, vm0, $0xb8;
	[tilespmem:$0x1E080] =	vst v63  }
0xb3: {  	_ = 	snop  }
0xb4: {  	[tilespmem:s0], [sflag:$0x2] =	stream.indirect_vreg.gather [hbm4b:s7+s3], $0x80, v4, vm0, $0xb8;
	[tilespmem:$0x1E080] =	vst v63  }
0xb5: {  	v4 =	vld [tilespmem:$0x50];
	_ =	sdelay $0x4  }
0xb6: {  	v5 =	vshll.u32 v4, $0x3  }
0xb7: {  	v4 =	vand.u32 $0x7, v4;
	v5 =	vand.u32 $0xFFFFFFC0, v5  }
0xb8: {  	v4 =	vor.u32 v4, v5  }
0xb9: {  	v5 =	vperm.xlane v4, v1;
	_ =	sdelay $0x1  }
0xba: {  	v5 =	vadd.s32 v2, v5;
	_ =	sdelay $0x1  }
0xbb: {  	s0 =	sld [smem:$0x7F7];
	_ =	sdelay $0x1  }
0xbc: {  	s16 =	sld [smem:$0x7F8]  }
0xbd: {  	[tilespmem:s0], [sflag:$0x2] =	stream.indirect_vreg.gather [hbm4b:s2+s3], $0x80, v5, vm0, $0xb8;
	[tilespmem:$0x1E080] =	vst v63  }
0xbe: {  	v4 =	vperm.xlane v4, v3;
	s0 =	sld [smem:$0x7F9]  }
0xbf: {  	[tilespmem:s16], [sflag:$0x2] =	stream.indirect_vreg.gather [hbm4b:s5+s3], $0x80, v5, vm0, $0xb8;
	[tilespmem:$0x1E080] =	vst v63  }
0xc0: {  	v4 =	vadd.s32 v2, v4;
	s16 =	sld [smem:$0x7FA]  }
0xc1: {  	[tilespmem:s0], [sflag:$0x2] =	stream.indirect_vreg.gather [hbm4b:s6+s3], $0x80, v5, vm0, $0xb8;
	[tilespmem:$0x1E080] =	vst v63  }
0xc2: {  	s0 =	sld [smem:$0x7FB]  }
0xc3: {  	[tilespmem:s16], [sflag:$0x2] =	stream.indirect_vreg.gather [hbm4b:s7+s3], $0x80, v5, vm0, $0xb8;
	[tilespmem:$0x1E080] =	vst v63  }
0xc4: {  	s16 =	sld [smem:$0x7FC]  }
0xc5: {  	[tilespmem:s0], [sflag:$0x2] =	stream.indirect_vreg.gather [hbm4b:s2+s3], $0x80, v4, vm0, $0xb8;
	[tilespmem:$0x1E080] =	vst v63  }
0xc6: {  	s0 =	sld [smem:$0x7FD]  }
0xc7: {  	[tilespmem:s16], [sflag:$0x2] =	stream.indirect_vreg.gather [hbm4b:s5+s3], $0x80, v4, vm0, $0xb8;
	[tilespmem:$0x1E080] =	vst v63  }
0xc8: {  	_ = 	snop  }
0xc9: {  	[tilespmem:s0], [sflag:$0x2] =	stream.indirect_vreg.gather [hbm4b:s6+s3], $0x80, v4, vm0, $0xb8;
	[tilespmem:$0x1E080] =	vst v63  }
0xca: {  	s16 =	simm.s32 $0x17880  }
0xcb: {  	[tilespmem:s16], [sflag:$0x2] =	stream.indirect_vreg.gather [hbm4b:s7+s3], $0x80, v4, vm0, $0xb8;
	[tilespmem:$0x1E080] =	vst v63  }
0xcc: {  	v4 =	vld [tilespmem:$0x60];
	_ =	sdelay $0x4  }
0xcd: {  	v5 =	vshll.u32 v4, $0x3  }
0xce: {  	v4 =	vand.u32 $0x7, v4;
	v5 =	vand.u32 $0xFFFFFFC0, v5  }
0xcf: {  	v4 =	vor.u32 v4, v5  }
0xd0: {  	v5 =	vperm.xlane v4, v1;
	_ =	sdelay $0x1  }
0xd1: {  	v5 =	vadd.s32 v2, v5;
	_ =	sdelay $0x4  }
0xd2: {  	[tilespmem:s17], [sflag:$0x2] =	stream.indirect_vreg.gather [hbm4b:s2+s3], $0x80, v5, vm0, $0xb8;
	[tilespmem:$0x1E080] =	vst v63  }
0xd3: {  	v4 =	vperm.xlane v4, v3  }
0xd4: {  	[tilespmem:s18], [sflag:$0x2] =	stream.indirect_vreg.gather [hbm4b:s5+s3], $0x80, v5, vm0, $0xb8;
	[tilespmem:$0x1E080] =	vst v63  }
0xd5: {  	v4 =	vadd.s32 v2, v4  }
0xd6: {  	[tilespmem:s19], [sflag:$0x2] =	stream.indirect_vreg.gather [hbm4b:s6+s3], $0x80, v5, vm0, $0xb8;
	[tilespmem:$0x1E080] =	vst v63  }
0xd7: {  	_ = 	snop  }
0xd8: {  	[tilespmem:s20], [sflag:$0x2] =	stream.indirect_vreg.gather [hbm4b:s7+s3], $0x80, v5, vm0, $0xb8;
	[tilespmem:$0x1E080] =	vst v63  }
0xd9: {  	_ = 	snop  }
0xda: {  	[tilespmem:s21], [sflag:$0x2] =	stream.indirect_vreg.gather [hbm4b:s2+s3], $0x80, v4, vm0, $0xb8;
	[tilespmem:$0x1E080] =	vst v63  }
0xdb: {  	_ = 	snop  }
0xdc: {  	[tilespmem:s22], [sflag:$0x2] =	stream.indirect_vreg.gather [hbm4b:s5+s3], $0x80, v4, vm0, $0xb8;
	[tilespmem:$0x1E080] =	vst v63  }
0xdd: {  	_ = 	snop  }
0xde: {  	[tilespmem:s23], [sflag:$0x2] =	stream.indirect_vreg.gather [hbm4b:s6+s3], $0x80, v4, vm0, $0xb8;
	[tilespmem:$0x1E080] =	vst v63  }
0xdf: {  	_ = 	snop  }
0xe0: {  	[tilespmem:s24], [sflag:$0x2] =	stream.indirect_vreg.gather [hbm4b:s7+s3], $0x80, v4, vm0, $0xb8;
	[tilespmem:$0x1E080] =	vst v63  }
0xe1: {  	v4 =	vld.msk [tilespmem:$0x70], $0xff;
	_ =	sdelay $0x4  }
0xe2: {  	v5 =	vshll.u32 v4, $0x3  }
0xe3: {  	v4 =	vand.u32 $0x7, v4;
	v5 =	vand.u32 $0xFFFFFFC0, v5  }
0xe4: {  	v4 =	vor.u32 v4, v5  }
0xe5: {  	v4 =	vperm.xlane v4, v1;
	_ =	sdelay $0x1  }
0xe6: {  	v4 =	vadd.s32 v2, v4;
	_ =	sdelay $0x4  }
0xe7: {  	[tilespmem:s25], [sflag:$0x2] =	stream.indirect_vreg.gather [hbm4b:s2+s3], $0x80, v4, vm0, $0xb8;
	[tilespmem:$0x1E080] =	vst v63  }
0xe8: {  	_ = 	snop  }
0xe9: {  	[tilespmem:s26], [sflag:$0x2] =	stream.indirect_vreg.gather [hbm4b:s5+s3], $0x80, v4, vm0, $0xb8;
	[tilespmem:$0x1E080] =	vst v63  }
0xea: {  	_ = 	snop  }
0xeb: {  	[tilespmem:s28], [sflag:$0x2] =	stream.indirect_vreg.gather [hbm4b:s6+s3], $0x80, v4, vm0, $0xb8;
	[tilespmem:$0x1E080] =	vst v63  }
0xec: {  	_ = 	snop  }
0xed: {  	[tilespmem:s29], [sflag:$0x2] =	stream.indirect_vreg.gather [hbm4b:s7+s3], $0x80, v4, vm0, $0xb8;
	[tilespmem:$0x1E080] =	vst v63  }
0xee: {  	_ =	swait.ge [sflag:s30], $0x10000  }
0xef: {  	[sflag:s30] =	ssyncset.done $0x0  }
0xf0: {  	[sflag:s30] =	ssyncadd.s32 $0xFFFF0000  }
0xf1: {  	v4 =	vld.msk [tilespmem:$0x78], $0xff;
	_ =	sdelay $0x4  }
0xf2: {  	v5 =	vshll.u32 v4, $0x3  }
0xf3: {  	v4 =	vand.u32 $0x7, v4;
	v5 =	vand.u32 $0xFFFFFFC0, v5  }
0xf4: {  	v4 =	vor.u32 v4, v5  }
0xf5: {  	v4 =	vperm.xlane v4, v1;
	_ =	sdelay $0x1  }
0xf6: {  	v4 =	vadd.s32 v2, v4;
	_ =	sdelay $0x4  }
0xf7: {  	[tilespmem:s10], [sflag:$0x1] =	stream.indirect_vreg.gather [hbm4b:s2+s3], $0x80, v4, vm0, $0xb8;
	[tilespmem:$0x1E080] =	vst v63  }
0xf8: {  	_ = 	snop  }
0xf9: {  	[tilespmem:s11], [sflag:$0x1] =	stream.indirect_vreg.gather [hbm4b:s5+s3], $0x80, v4, vm0, $0xb8;
	[tilespmem:$0x1E080] =	vst v63  }
0xfa: {  	_ = 	snop  }
0xfb: {  	[tilespmem:s12], [sflag:$0x1] =	stream.indirect_vreg.gather [hbm4b:s6+s3], $0x80, v4, vm0, $0xb8;
	[tilespmem:$0x1E080] =	vst v63  }
0xfc: {  	_ = 	snop  }
0xfd: {  	[tilespmem:s13], [sflag:$0x1] =	stream.indirect_vreg.gather [hbm4b:s7+s3], $0x80, v4, vm0, $0xb8;
	[tilespmem:$0x1E080] =	vst v63  }
0xfe: {  	_ =	swait.ge [sflag:s31], $0xE000  }
0xff: {  	[sflag:s31] =	ssyncset.done $0x0  }
0x100: {  	s16 =	rddreg [dreg:$0x5];
	[sflag:s31] =	ssyncadd.s32 $0xFFFF2000  }
0x101: {  	[hbm4b:s16+s3] =	stream.linear.scatter [tilespmem:s15], [sflag:$0x4], $0xE000, $0x38;
	[tilespmem:$0x1E080] =	vst v63  }
0x102: {  	_ =	swait.ge [sflag:s14], $0x2000  }
0x103: {  	[sflag:s14] =	ssyncset.done $0x0  }
0x104: {  	s16 =	rddreg [dreg:$0x6];
	[sflag:s14] =	ssyncadd.s32 $0xFFFFE000  }
0x105: {  	[hbm4b:s16+s3] =	stream.linear.scatter [tilespmem:s10], [sflag:$0x5], $0x2000, $0x38;
	[tilespmem:$0x1E080] =	vst v63  }
0x106: {  	p0 =	sne.s32 s8, $0x1;
	_ =	swait.ge [sflag:s9], $0x2000  }
.Ltmp0:
0x107: {  	[sflag:s9] =	ssyncset.done $0x0;
	(pc) =	sbr.rel @p0 .LBB2_1-.Ltmp0, $4  }
0x108: {  	[sflag:s9] =	ssyncadd.s32 $0xFFFFE000  }
0x109: {  	_ =	swait.ge [sflag:s1], $0xE000  }
0x10a: {  	[sflag:s1] =	ssyncset.done $0x0  }
0x10b: {  	s8 =	sadd.s32 $0xFFFFFFFF, s8;
	[sflag:s1] =	ssyncadd.s32 $0xFFFF2000  }
0x10c: {  	_ =	sfence.sel $0x180000  }
0x10d: {  	[bflag:$0x0] =	sbarrier.arrive $0xFFFF  }
0x10e: {  	_ =	strace $0x90000047  }
0x10f: {  	s0 =	stileid.u32;
	[bflag:$0x2] =	sbarrier.arrive $0xFFFF  }
0x110: {  	p0 =	sne.s32 s0, $0x0;
	s0 =	rddreg [dreg:$0x3]  }
0x111: {  	s0 =	sadd.s32 @!p0 $0x100000, s0  }
0x112: {  	[sflag:s0] =	ssyncadd.tile.s32 @!p0 $0x1;
	_ =	shalt  }
.Lfunc_end2:
_tile_overlayer_lowered:
.L_overlay_start_2:
0x113: {  	(tag) =	ssettag $0x2  }
0x114: {  	s0 =	rddreg [dreg:$0x0];
	s2 =	stileid.u32  }
0x115: {  	s1 =	rddreg [dreg:$0x1];
	p0 =	sne.s32 s2, $0x0  }
0x116: {  	s3 =	rddreg [dreg:$0x2];
	[bflag:$0x3] =	sbarrier.arrive $0xFFFF;
	s2 =	simm.s32 @!p0 $0x1C05  }
0x117: {  	[timem:s3], [sflag:s2] =	dma.local @!p0 [hbm:s0], s1  }
0x118: {  	s0 =	simm.s32 @!p0 $0x5  }
0x119: {  	_ =	swait.ge @!p0 [sflag:s0], s1  }
0x11a: {  	s1 =	ssub.s32 @!p0 $0x0, s1;
	[sflag:s0] =	ssyncset.done @!p0 $0x0  }
0x11b: {  	[sflag:s0] =	ssyncadd.s32 @!p0 s1  }
0x11c: {  	[bflag:$0x3] =	sbarrier.arrive $0xFFFF  }
0x11d: {  	_ =	shalt  }

</sc_bundles>
